<compile_context>
chip_gen: v7x
topology: tpu7x:2x2x1
jax: 0.10.2.dev20260603
libtpu: 0.0.44.dev20260713+nightly
codegen_flags: <defaults>
</compile_context>

<pallas_src>
import jax
import jax.numpy as jnp
from jax import lax
from jax.experimental import pallas as pl
from jax.experimental.pallas import tpu as pltpu
from jax.experimental.pallas import tpu_sc as plsc

_N = 50000
_L = 16
_T = 16
_PER = 6256
_LAST = 2 * _N - (_T - 1) * _PER
_CH = _PER // _L
_CH_LAST = _LAST // _L
_W_STEER = 1.0 / (0.8 * 0.8)
_INV_N = 1.0 / _N


def _loss_body(yp_hbm, yr_hbm, out_hbm, p_v, r_v, stage_v, all_v, shared):
    wid = lax.axis_index("s")
    base = wid * _PER
    last = wid == _T - 1

    @pl.when(jnp.logical_not(last))
    def _():
        pltpu.sync_copy(yp_hbm.at[pl.ds(base, _PER)], p_v)
        pltpu.sync_copy(yr_hbm.at[pl.ds(base, _PER)], r_v)

    @pl.when(last)
    def _():
        pltpu.sync_copy(yp_hbm.at[pl.ds(base, _LAST)], p_v.at[pl.ds(0, _LAST)])
        pltpu.sync_copy(yr_hbm.at[pl.ds(base, _LAST)], r_v.at[pl.ds(0, _LAST)])

    lane = lax.iota(jnp.int32, 16)
    w = 1.0 + (lane % 2).astype(jnp.float32) * (_W_STEER - 1.0)

    def step(j, acc):
        d = r_v[pl.ds(j * _L, _L)] - p_v[pl.ds(j * _L, _L)]
        return acc + d * d * w

    n_chunks = jnp.where(last, _CH_LAST, _CH)
    acc = lax.fori_loop(0, n_chunks, step, jnp.zeros((_L,), jnp.float32))

    stage_v[...] = acc
    pltpu.sync_copy(stage_v, shared.at[pl.ds(wid * _L, _L)])
    plsc.subcore_barrier()

    @pl.when(wid == 0)
    def _():
        pltpu.sync_copy(shared, all_v)
        tot = jnp.zeros((_L,), jnp.float32)
        for i in range(_T):
            tot = tot + all_v[pl.ds(i * _L, _L)]
        loss = jnp.float32(0.0)
        for i in range(_L):
            loss = loss + tot[i]
        stage_v[...] = jnp.full((_L,), loss * _INV_N, jnp.float32)
        pltpu.sync_copy(stage_v.at[pl.ds(0, 1)], out_hbm)


_sc_loss = pl.kernel(
    _loss_body,
    out_type=jax.ShapeDtypeStruct((1,), jnp.float32),
    mesh=plsc.VectorSubcoreMesh(
        core_axis_name="c", subcore_axis_name="s", num_cores=1
    ),
    scratch_types=[
        pltpu.VMEM((_PER,), jnp.float32),
        pltpu.VMEM((_PER,), jnp.float32),
        pltpu.VMEM((_L,), jnp.float32),
        pltpu.VMEM((_T * _L,), jnp.float32),
        pltpu.VMEM_SHARED((_T * _L,), jnp.float32),
    ],
)


def kernel(y_pred, y_ref, X_cur, edges):
    del X_cur, edges
    yp = y_pred.reshape(-1)
    yr = y_ref.reshape(-1)
    return _sc_loss(yp, yr).reshape(())

# --- scband reference (transcript-rebuilt; emitter-appended) ---
"""Pipeline reference for scband-self-super-vised-learning-loss-5523327943235 (READ-ONLY COPY).

The authoritative reference and input builder live on the scoring server;
editing this copy changes nothing except your own understanding.
"""

import jax, jax.numpy as jnp
import numpy as np

DT = 0.2
SAFE = 1.5
PARK = 5.0
VR = 1.5
DEFV = 2.5
PI = np.pi
BOUND = np.array([1.0, 0.8], dtype=np.float32)
N = 50000
E = 1600000


def setup_inputs(seed: int = 0) -> dict:
    key = jax.random.key(seed)
    k1, k2, k3, k4 = jax.random.split(key, 4)
    y_pred = jax.random.normal(k1, (N, 2), dtype=jnp.float32)
    y_ref = jax.random.normal(k2, (N, 2), dtype=jnp.float32)
    # last column == 0 marks every row as a vehicle, so y_pred/y_ref rows align with vehicle rows
    X_cur = jnp.zeros((N, 9), dtype=jnp.float32)
    src = jax.random.randint(k3, (E,), 0, N)
    off = jax.random.randint(k4, (E,), 1, N)
    dst = (src + off) % N  # no self-loops (avoids norm-at-zero NaN grads)
    edges = jnp.stack([src, dst], axis=0)
    return {"y_pred": y_pred, "y_ref": y_ref, "X_cur": X_cur, "edges": edges}


def _vehicle_dynamic(X, y, veh):
    current = X[veh, :4]
    control = y
    x_t = current[:, 0] + current[:, 3] * jnp.cos(current[:, 2]) * DT
    y_t = current[:, 1] + current[:, 3] * jnp.sin(current[:, 2]) * DT
    psi_t = current[:, 2] + current[:, 3] * DT * jnp.tan(control[:, 1]) / 2.0
    psi_t = (psi_t + PI) % (2 * PI) - PI
    v_t = 0.99 * current[:, 3] + control[:, 0] * DT
    nxt = jnp.stack([x_t, y_t, psi_t, v_t], axis=-1)
    return X.at[veh, :4].set(nxt)


def _get_loss_for_speed(X_ref, theta_ref, pedal_ref, pedal_pred, edges, veh, veh_mask, n):
    veh_idx_edg = veh_mask[edges[0]].astype(jnp.float32)
    speed_pred = X_ref[:, 3]
    speed_pred = speed_pred.at[veh].add((pedal_pred - pedal_ref) * DT)
    margin_safe_dist_edg = jnp.abs(speed_pred[edges[1]]) + veh_idx_edg * jnp.abs(speed_pred[edges[0]])
    safe_dist_edg = margin_safe_dist_edg + SAFE
    vec_orient = jnp.stack((jnp.cos(theta_ref), jnp.sin(theta_ref)), axis=-1)
    vel_velocity = vec_orient * speed_pred[veh][:, None]
    X_pred = X_ref.at[veh, 3].set(speed_pred[veh])
    X_pred = X_pred.at[veh, :2].set(X_ref[veh, :2] + vel_velocity * DT)

    def _col(Xs):
        d = jnp.linalg.norm(Xs[edges[0], :2] - Xs[edges[1], :2], axis=-1)
        lc = jax.nn.relu(safe_dist_edg + Xs[edges[0], 7] + (veh_idx_edg + 1.0) * VR - d)
        lc = lc ** 2 + lc
        return jax.ops.segment_sum(lc, edges[1], num_segments=n)[veh]

    loss_pred = jnp.linalg.norm(X_pred[veh, :2], axis=-1) + _col(X_pred)
    loss_ref = jnp.linalg.norm(X_ref[veh, :2], axis=-1) + _col(X_ref)
    loss_diff = loss_pred - loss_ref
    m = (loss_diff >= 0).astype(jnp.float32)
    return (loss_diff ** 2 + loss_diff) * m + loss_diff * (1.0 - m)


def reference(y_pred, y_ref, X_cur, edges):
    veh_mask = X_cur[:, -1] == 0
    n = X_cur.shape[0]
    veh = jnp.nonzero(veh_mask, size=n, fill_value=0)[0]
    bound = jnp.asarray(BOUND)
    X_ref = _vehicle_dynamic(X_cur, y_ref, veh)
    mask_1 = jnp.linalg.norm(X_ref[veh, :2] - X_cur[veh, 4:6], axis=-1) - (PARK + jnp.abs(X_cur[veh, 3])) > 0
    mask_2 = jnp.abs(X_ref[veh, 3]) >= DEFV - 1e-05
    mask_3 = jnp.sign(X_ref[veh, 3]) * (y_ref[..., 0] - y_pred[..., 0]) <= 1e-05
    mask = (mask_1 & mask_2 & mask_3).astype(jnp.float32)
    loss_1 = jnp.mean(((y_ref[..., 1] - y_pred[..., 1]) / bound[1]) ** 2)
    loss_2_1 = ((y_ref[..., 0] - y_pred[..., 0]) / bound[0]) ** 2
    loss_2_2 = _get_loss_for_speed(X_ref, y_ref[..., 1], y_ref[..., 0], y_pred[..., 0], edges, veh, veh_mask, n)
    loss_2 = jnp.mean(loss_2_1 * (1.0 - mask) + loss_2_2 * mask)
    return loss_1 + loss_2

if __name__ == "__main__":
    import jax
    _d = setup_inputs()
    print(jax.jit(kernel)(*tuple(_d.values())))

</pallas_src>

<mosaic_0001>
#map = affine_map<(d0, d1) -> (0)>
module attributes {stable_mosaic.version = 14 : i64} {
  func.func @_loss_body(%arg0: i32, %arg1: i32, %arg2: memref<100000xf32, #tpu.memory_space<hbm>>, %arg3: memref<100000xf32, #tpu.memory_space<hbm>>, %arg4: memref<1xf32, #tpu.memory_space<hbm>>, %arg5: memref<6256xf32, #tpu.memory_space<vmem>>, %arg6: memref<6256xf32, #tpu.memory_space<vmem>>, %arg7: memref<16xf32, #tpu.memory_space<vmem>>, %arg8: memref<256xf32, #tpu.memory_space<vmem>>, %arg9: memref<256xf32, #tpu.memory_space<vmem_shared>>) attributes {dimension_semantics = [#tpu.dimension_semantics<core_parallel>, #tpu.dimension_semantics<subcore_parallel>], iteration_bounds = array<i64: 1, 16>, scalar_prefetch = 0 : i64, scratch_operands = 5 : i64, tpu.core_type = #tpu.core_type<sc_vector_subcore>, window_params = [{transform_indices = #map}, {transform_indices = #map}, {transform_indices = #map}]} {
    %mul3A = arith.constant 6256 : i32
    %mul3A_0 = arith.muli %arg1, %mul3A : i32
    %eq3A = arith.constant 15 : i32
    %eq3A_1 = arith.cmpi eq, %arg1, %eq3A : i32
    %not3A = arith.constant true
    %not3A_2 = arith.xori %eq3A_1, %not3A : i1
    %convert_element_type3A = arith.extui %not3A_2 : i1 to i32
    %cond3A = arith.constant 0 : i32
    %cond3A_3 = arith.cmpi ne, %convert_element_type3A, %cond3A : i32
    scf.if %cond3A_3 {
      "tpu.region"() ({
        %run_scoped3A = tpu.sem_alloc : memref<!tpu.dma_semaphore, #tpu.memory_space<semaphore_mem>>
        %dma_start3A = tpu.memref_slice %arg2[%mul3A_0] : memref<100000xf32, #tpu.memory_space<hbm>> -> memref<6256xf32, #tpu.memory_space<hbm>>
        %dma_start3A_53 = tpu.memref_slice %arg2[%mul3A_0] : memref<100000xf32, #tpu.memory_space<hbm>> -> memref<6256xf32, #tpu.memory_space<hbm>>
        tpu.enqueue_dma source(%dma_start3A_53 : memref<6256xf32, #tpu.memory_space<hbm>>) target(%arg5 : memref<6256xf32, #tpu.memory_space<vmem>>) target_semaphore(%run_scoped3A : memref<!tpu.dma_semaphore, #tpu.memory_space<semaphore_mem>>)
        %dma_wait3A = tpu.memref_slice %arg2[%mul3A_0] : memref<100000xf32, #tpu.memory_space<hbm>> -> memref<6256xf32, #tpu.memory_space<hbm>>
        %dma_wait3A_54 = tpu.memref_slice %arg2[%mul3A_0] : memref<100000xf32, #tpu.memory_space<hbm>> -> memref<6256xf32, #tpu.memory_space<hbm>>
        tpu.wait_dma2 semaphore(%run_scoped3A : memref<!tpu.dma_semaphore, #tpu.memory_space<semaphore_mem>>) src(%dma_wait3A_54 : memref<6256xf32, #tpu.memory_space<hbm>>) dst(%arg5 : memref<6256xf32, #tpu.memory_space<vmem>>)
        tpu.yield
      }) : () -> ()
      "tpu.region"() ({
        %run_scoped3A = tpu.sem_alloc : memref<!tpu.dma_semaphore, #tpu.memory_space<semaphore_mem>>
        %dma_start3A = tpu.memref_slice %arg3[%mul3A_0] : memref<100000xf32, #tpu.memory_space<hbm>> -> memref<6256xf32, #tpu.memory_space<hbm>>
        %dma_start3A_53 = tpu.memref_slice %arg3[%mul3A_0] : memref<100000xf32, #tpu.memory_space<hbm>> -> memref<6256xf32, #tpu.memory_space<hbm>>
        tpu.enqueue_dma source(%dma_start3A_53 : memref<6256xf32, #tpu.memory_space<hbm>>) target(%arg6 : memref<6256xf32, #tpu.memory_space<vmem>>) target_semaphore(%run_scoped3A : memref<!tpu.dma_semaphore, #tpu.memory_space<semaphore_mem>>)
        %dma_wait3A = tpu.memref_slice %arg3[%mul3A_0] : memref<100000xf32, #tpu.memory_space<hbm>> -> memref<6256xf32, #tpu.memory_space<hbm>>
        %dma_wait3A_54 = tpu.memref_slice %arg3[%mul3A_0] : memref<100000xf32, #tpu.memory_space<hbm>> -> memref<6256xf32, #tpu.memory_space<hbm>>
        tpu.wait_dma2 semaphore(%run_scoped3A : memref<!tpu.dma_semaphore, #tpu.memory_space<semaphore_mem>>) src(%dma_wait3A_54 : memref<6256xf32, #tpu.memory_space<hbm>>) dst(%arg6 : memref<6256xf32, #tpu.memory_space<vmem>>)
        tpu.yield
      }) : () -> ()
    } else {
    }
    %convert_element_type3A_4 = arith.extui %eq3A_1 : i1 to i32
    %cond3A_5 = arith.constant 0 : i32
    %cond3A_6 = arith.cmpi ne, %convert_element_type3A_4, %cond3A_5 : i32
    scf.if %cond3A_6 {
      "tpu.region"() ({
        %run_scoped3A = tpu.sem_alloc : memref<!tpu.dma_semaphore, #tpu.memory_space<semaphore_mem>>
        %dma_start3A = arith.constant 0 : i32
        %dma_start3A_53 = tpu.memref_slice %arg5[%dma_start3A] : memref<6256xf32, #tpu.memory_space<vmem>> -> memref<6160xf32, #tpu.memory_space<vmem>>
        %dma_start3A_54 = tpu.memref_slice %arg2[%mul3A_0] : memref<100000xf32, #tpu.memory_space<hbm>> -> memref<6160xf32, #tpu.memory_space<hbm>>
        %dma_start3A_55 = arith.constant 0 : i32
        %dma_start3A_56 = tpu.memref_slice %arg5[%dma_start3A_55] : memref<6256xf32, #tpu.memory_space<vmem>> -> memref<6160xf32, #tpu.memory_space<vmem>>
        %dma_start3A_57 = tpu.memref_slice %arg2[%mul3A_0] : memref<100000xf32, #tpu.memory_space<hbm>> -> memref<6160xf32, #tpu.memory_space<hbm>>
        tpu.enqueue_dma source(%dma_start3A_57 : memref<6160xf32, #tpu.memory_space<hbm>>) target(%dma_start3A_56 : memref<6160xf32, #tpu.memory_space<vmem>>) target_semaphore(%run_scoped3A : memref<!tpu.dma_semaphore, #tpu.memory_space<semaphore_mem>>)
        %dma_wait3A = arith.constant 0 : i32
        %dma_wait3A_58 = tpu.memref_slice %arg5[%dma_wait3A] : memref<6256xf32, #tpu.memory_space<vmem>> -> memref<6160xf32, #tpu.memory_space<vmem>>
        %dma_wait3A_59 = tpu.memref_slice %arg2[%mul3A_0] : memref<100000xf32, #tpu.memory_space<hbm>> -> memref<6160xf32, #tpu.memory_space<hbm>>
        %dma_wait3A_60 = arith.constant 0 : i32
        %dma_wait3A_61 = tpu.memref_slice %arg5[%dma_wait3A_60] : memref<6256xf32, #tpu.memory_space<vmem>> -> memref<6160xf32, #tpu.memory_space<vmem>>
        %dma_wait3A_62 = tpu.memref_slice %arg2[%mul3A_0] : memref<100000xf32, #tpu.memory_space<hbm>> -> memref<6160xf32, #tpu.memory_space<hbm>>
        tpu.wait_dma2 semaphore(%run_scoped3A : memref<!tpu.dma_semaphore, #tpu.memory_space<semaphore_mem>>) src(%dma_wait3A_62 : memref<6160xf32, #tpu.memory_space<hbm>>) dst(%dma_wait3A_61 : memref<6160xf32, #tpu.memory_space<vmem>>)
        tpu.yield
      }) : () -> ()
      "tpu.region"() ({
        %run_scoped3A = tpu.sem_alloc : memref<!tpu.dma_semaphore, #tpu.memory_space<semaphore_mem>>
        %dma_start3A = arith.constant 0 : i32
        %dma_start3A_53 = tpu.memref_slice %arg6[%dma_start3A] : memref<6256xf32, #tpu.memory_space<vmem>> -> memref<6160xf32, #tpu.memory_space<vmem>>
        %dma_start3A_54 = tpu.memref_slice %arg3[%mul3A_0] : memref<100000xf32, #tpu.memory_space<hbm>> -> memref<6160xf32, #tpu.memory_space<hbm>>
        %dma_start3A_55 = arith.constant 0 : i32
        %dma_start3A_56 = tpu.memref_slice %arg6[%dma_start3A_55] : memref<6256xf32, #tpu.memory_space<vmem>> -> memref<6160xf32, #tpu.memory_space<vmem>>
        %dma_start3A_57 = tpu.memref_slice %arg3[%mul3A_0] : memref<100000xf32, #tpu.memory_space<hbm>> -> memref<6160xf32, #tpu.memory_space<hbm>>
        tpu.enqueue_dma source(%dma_start3A_57 : memref<6160xf32, #tpu.memory_space<hbm>>) target(%dma_start3A_56 : memref<6160xf32, #tpu.memory_space<vmem>>) target_semaphore(%run_scoped3A : memref<!tpu.dma_semaphore, #tpu.memory_space<semaphore_mem>>)
        %dma_wait3A = arith.constant 0 : i32
        %dma_wait3A_58 = tpu.memref_slice %arg6[%dma_wait3A] : memref<6256xf32, #tpu.memory_space<vmem>> -> memref<6160xf32, #tpu.memory_space<vmem>>
        %dma_wait3A_59 = tpu.memref_slice %arg3[%mul3A_0] : memref<100000xf32, #tpu.memory_space<hbm>> -> memref<6160xf32, #tpu.memory_space<hbm>>
        %dma_wait3A_60 = arith.constant 0 : i32
        %dma_wait3A_61 = tpu.memref_slice %arg6[%dma_wait3A_60] : memref<6256xf32, #tpu.memory_space<vmem>> -> memref<6160xf32, #tpu.memory_space<vmem>>
        %dma_wait3A_62 = tpu.memref_slice %arg3[%mul3A_0] : memref<100000xf32, #tpu.memory_space<hbm>> -> memref<6160xf32, #tpu.memory_space<hbm>>
        tpu.wait_dma2 semaphore(%run_scoped3A : memref<!tpu.dma_semaphore, #tpu.memory_space<semaphore_mem>>) src(%dma_wait3A_62 : memref<6160xf32, #tpu.memory_space<hbm>>) dst(%dma_wait3A_61 : memref<6160xf32, #tpu.memory_space<vmem>>)
        tpu.yield
      }) : () -> ()
    } else {
    }
    %iota3A = tpu.iota {dimensions = array<i32: 0>} : vector<16xi32>
    %jit3A = arith.constant 2 : i32
    %eq3A_7 = arith.constant 0 : i32
    %eq3A_8 = arith.cmpi eq, %jit3A, %eq3A_7 : i32
    %jit3A_9 = arith.constant 1 : i32
    %select_n3A = arith.select %eq3A_8, %jit3A_9, %jit3A : i32
    %rem3A = vector.broadcast %select_n3A : i32 to vector<16xi32>
    %rem3A_10 = arith.remsi %iota3A, %rem3A : vector<16xi32>
    %ne3A = arith.constant 0 : i32
    %ne3A_11 = vector.broadcast %ne3A : i32 to vector<16xi32>
    %ne3A_12 = arith.cmpi ne, %rem3A_10, %ne3A_11 : vector<16xi32>
    %lt3A = arith.constant 0 : i32
    %lt3A_13 = vector.broadcast %lt3A : i32 to vector<16xi32>
    %lt3A_14 = arith.cmpi slt, %rem3A_10, %lt3A_13 : vector<16xi32>
    %lt3A_15 = arith.constant 0 : i32
    %lt3A_16 = arith.cmpi slt, %select_n3A, %lt3A_15 : i32
    %ne3A_17 = vector.broadcast %lt3A_16 : i1 to vector<16xi1>
    %ne3A_18 = vector.broadcast %ne3A_17 : vector<16xi1> to vector<16xi1>
    %ne3A_19 = arith.xori %lt3A_14, %ne3A_18 : vector<16xi1>
    %and3A = arith.andi %ne3A_19, %ne3A_12 : vector<16xi1>
    %add3A = vector.broadcast %select_n3A : i32 to vector<16xi32>
    %add3A_20 = arith.addi %rem3A_10, %add3A : vector<16xi32>
    %select_n3A_21 = arith.select %and3A, %add3A_20, %rem3A_10 : vector<16xi1>, vector<16xi32>
    %convert_element_type3A_22 = arith.sitofp %select_n3A_21 : vector<16xi32> to vector<16xf32>
    %mul3A_23 = arith.constant 5.625000e-01 : f32
    %mul3A_24 = vector.broadcast %mul3A_23 : f32 to vector<16xf32>
    %mul3A_25 = arith.mulf %convert_element_type3A_22, %mul3A_24 : vector<16xf32>
    %add3A_26 = arith.constant 1.000000e+00 : f32
    %add3A_27 = vector.broadcast %add3A_26 : f32 to vector<16xf32>
    %add3A_28 = arith.addf %add3A_27, %mul3A_25 : vector<16xf32>
    %jit3A_29 = arith.constant 385 : i32
    %jit3A_30 = arith.constant 391 : i32
    %select_n3A_31 = arith.select %eq3A_1, %jit3A_29, %jit3A_30 : i32
    %broadcast_in_dim3A = arith.constant 0.000000e+00 : f32
    %broadcast_in_dim3A_32 = vector.broadcast %broadcast_in_dim3A : f32 to vector<16xf32>
    %while3A = arith.constant 0 : i32
    %while3A_33 = arith.subi %select_n3A_31, %while3A : i32
    %while3A_34 = arith.addi %while3A, %while3A_33 : i32
    %while3A_35 = arith.constant 1 : i32
    %while3A_36 = arith.divsi %while3A_33, %while3A_35 : i32
    %while3A_37 = arith.muli %while3A_36, %while3A_35 : i32
    %while3A_38 = arith.addi %while3A, %while3A_37 : i32
    %while3A_39 = arith.constant 1 : i32
    %while3A_40 = scf.for %while3A_53 = %while3A to %while3A_38 step %while3A_39 iter_args(%while3A_54 = %broadcast_in_dim3A_32) -> (vector<16xf32>)  : i32 {
      %mul3A_55 = arith.constant 16 : i32
      %mul3A_56 = arith.muli %while3A_53, %mul3A_55 : i32
      %get3A = arith.index_cast %mul3A_56 : i32 to index
      %get3A_57 = tpu.vector_load %arg6[%get3A] {strides = array<i32>} : memref<6256xf32, #tpu.memory_space<vmem>>, vector<16xf32>,
      %get3A_58 = vector.shape_cast %get3A_57 : vector<16xf32> to vector<16xf32>
      %mul3A_59 = arith.constant 16 : i32
      %mul3A_60 = arith.muli %while3A_53, %mul3A_59 : i32
      %get3A_61 = arith.index_cast %mul3A_60 : i32 to index
      %get3A_62 = tpu.vector_load %arg5[%get3A_61] {strides = array<i32>} : memref<6256xf32, #tpu.memory_space<vmem>>, vector<16xf32>,
      %get3A_63 = vector.shape_cast %get3A_62 : vector<16xf32> to vector<16xf32>
      %sub3A = arith.subf %get3A_58, %get3A_63 : vector<16xf32>
      %mul3A_64 = arith.mulf %sub3A, %sub3A : vector<16xf32>
      %mul3A_65 = arith.mulf %mul3A_64, %add3A_28 : vector<16xf32>
      %add3A_66 = arith.addf %while3A_54, %mul3A_65 : vector<16xf32>
      scf.yield %add3A_66 : vector<16xf32>
    }
    %while3A_41 = arith.constant 1 : i32
    %while3A_42 = scf.for %while3A_53 = %while3A_38 to %while3A_34 step %while3A_41 iter_args(%while3A_54 = %while3A_40) -> (vector<16xf32>)  : i32 {
      %mul3A_55 = arith.constant 16 : i32
      %mul3A_56 = arith.muli %while3A_53, %mul3A_55 : i32
      %get3A = arith.index_cast %mul3A_56 : i32 to index
      %get3A_57 = tpu.vector_load %arg6[%get3A] {strides = array<i32>} : memref<6256xf32, #tpu.memory_space<vmem>>, vector<16xf32>,
      %get3A_58 = vector.shape_cast %get3A_57 : vector<16xf32> to vector<16xf32>
      %mul3A_59 = arith.constant 16 : i32
      %mul3A_60 = arith.muli %while3A_53, %mul3A_59 : i32
      %get3A_61 = arith.index_cast %mul3A_60 : i32 to index
      %get3A_62 = tpu.vector_load %arg5[%get3A_61] {strides = array<i32>} : memref<6256xf32, #tpu.memory_space<vmem>>, vector<16xf32>,
      %get3A_63 = vector.shape_cast %get3A_62 : vector<16xf32> to vector<16xf32>
      %sub3A = arith.subf %get3A_58, %get3A_63 : vector<16xf32>
      %mul3A_64 = arith.mulf %sub3A, %sub3A : vector<16xf32>
      %mul3A_65 = arith.mulf %mul3A_64, %add3A_28 : vector<16xf32>
      %add3A_66 = arith.addf %while3A_54, %mul3A_65 : vector<16xf32>
      scf.yield %add3A_66 : vector<16xf32>
    }
    %swap3A = arith.constant 0 : index
    %swap3A_43 = tpu.vector_load %arg7[%swap3A] {strides = array<i32>} : memref<16xf32, #tpu.memory_space<vmem>>, vector<16xf32>,
    %swap3A_44 = vector.shape_cast %swap3A_43 : vector<16xf32> to vector<16xf32>
    %swap3A_45 = vector.shape_cast %while3A_42 : vector<16xf32> to vector<16xf32>
    tpu.vector_store %arg7[%swap3A], %swap3A_45 {strides = array<i32>} : memref<16xf32, #tpu.memory_space<vmem>>, vector<16xf32>,
    %mul3A_46 = arith.constant 16 : i32
    %mul3A_47 = arith.muli %arg1, %mul3A_46 : i32
    "tpu.region"() ({
      %run_scoped3A = tpu.sem_alloc : memref<!tpu.dma_semaphore, #tpu.memory_space<semaphore_mem>>
      %dma_start3A = tpu.memref_slice %arg9[%mul3A_47] : memref<256xf32, #tpu.memory_space<vmem_shared>> -> memref<16xf32, #tpu.memory_space<vmem_shared>>
      %dma_start3A_53 = tpu.memref_slice %arg9[%mul3A_47] : memref<256xf32, #tpu.memory_space<vmem_shared>> -> memref<16xf32, #tpu.memory_space<vmem_shared>>
      tpu.enqueue_dma source(%arg7 : memref<16xf32, #tpu.memory_space<vmem>>) target(%dma_start3A_53 : memref<16xf32, #tpu.memory_space<vmem_shared>>) target_semaphore(%run_scoped3A : memref<!tpu.dma_semaphore, #tpu.memory_space<semaphore_mem>>)
      %dma_wait3A = tpu.memref_slice %arg9[%mul3A_47] : memref<256xf32, #tpu.memory_space<vmem_shared>> -> memref<16xf32, #tpu.memory_space<vmem_shared>>
      %dma_wait3A_54 = tpu.memref_slice %arg9[%mul3A_47] : memref<256xf32, #tpu.memory_space<vmem_shared>> -> memref<16xf32, #tpu.memory_space<vmem_shared>>
      tpu.wait_dma2 semaphore(%run_scoped3A : memref<!tpu.dma_semaphore, #tpu.memory_space<semaphore_mem>>) src(%arg7 : memref<16xf32, #tpu.memory_space<vmem>>) dst(%dma_wait3A_54 : memref<16xf32, #tpu.memory_space<vmem_shared>>)
      tpu.yield
    }) : () -> ()
    %barrier3A = arith.constant 0 : index
    tpu.barrier barrier_id(%barrier3A)
    %eq3A_48 = arith.constant 0 : i32
    %eq3A_49 = arith.cmpi eq, %arg1, %eq3A_48 : i32
    %convert_element_type3A_50 = arith.extui %eq3A_49 : i1 to i32
    %cond3A_51 = arith.constant 0 : i32
    %cond3A_52 = arith.cmpi ne, %convert_element_type3A_50, %cond3A_51 : i32
    scf.if %cond3A_52 {
      "tpu.region"() ({
        %run_scoped3A = tpu.sem_alloc : memref<!tpu.dma_semaphore, #tpu.memory_space<semaphore_mem>>
        tpu.enqueue_dma source(%arg9 : memref<256xf32, #tpu.memory_space<vmem_shared>>) target(%arg8 : memref<256xf32, #tpu.memory_space<vmem>>) target_semaphore(%run_scoped3A : memref<!tpu.dma_semaphore, #tpu.memory_space<semaphore_mem>>)
        tpu.wait_dma2 semaphore(%run_scoped3A : memref<!tpu.dma_semaphore, #tpu.memory_space<semaphore_mem>>) src(%arg9 : memref<256xf32, #tpu.memory_space<vmem_shared>>) dst(%arg8 : memref<256xf32, #tpu.memory_space<vmem>>)
        tpu.yield
      }) : () -> ()
      %broadcast_in_dim3A_53 = arith.constant 0.000000e+00 : f32
      %broadcast_in_dim3A_54 = vector.broadcast %broadcast_in_dim3A_53 : f32 to vector<16xf32>
      %get3A = arith.constant 0 : index
      %get3A_55 = tpu.vector_load %arg8[%get3A] {strides = array<i32>} : memref<256xf32, #tpu.memory_space<vmem>>, vector<16xf32>,
      %get3A_56 = vector.shape_cast %get3A_55 : vector<16xf32> to vector<16xf32>
      %add3A_57 = arith.addf %broadcast_in_dim3A_54, %get3A_56 : vector<16xf32>
      %get3A_58 = arith.constant 16 : index
      %get3A_59 = tpu.vector_load %arg8[%get3A_58] {strides = array<i32>} : memref<256xf32, #tpu.memory_space<vmem>>, vector<16xf32>,
      %get3A_60 = vector.shape_cast %get3A_59 : vector<16xf32> to vector<16xf32>
      %add3A_61 = arith.addf %add3A_57, %get3A_60 : vector<16xf32>
      %get3A_62 = arith.constant 32 : index
      %get3A_63 = tpu.vector_load %arg8[%get3A_62] {strides = array<i32>} : memref<256xf32, #tpu.memory_space<vmem>>, vector<16xf32>,
      %get3A_64 = vector.shape_cast %get3A_63 : vector<16xf32> to vector<16xf32>
      %add3A_65 = arith.addf %add3A_61, %get3A_64 : vector<16xf32>
      %get3A_66 = arith.constant 48 : index
      %get3A_67 = tpu.vector_load %arg8[%get3A_66] {strides = array<i32>} : memref<256xf32, #tpu.memory_space<vmem>>, vector<16xf32>,
      %get3A_68 = vector.shape_cast %get3A_67 : vector<16xf32> to vector<16xf32>
      %add3A_69 = arith.addf %add3A_65, %get3A_68 : vector<16xf32>
      %get3A_70 = arith.constant 64 : index
      %get3A_71 = tpu.vector_load %arg8[%get3A_70] {strides = array<i32>} : memref<256xf32, #tpu.memory_space<vmem>>, vector<16xf32>,
      %get3A_72 = vector.shape_cast %get3A_71 : vector<16xf32> to vector<16xf32>
      %add3A_73 = arith.addf %add3A_69, %get3A_72 : vector<16xf32>
      %get3A_74 = arith.constant 80 : index
      %get3A_75 = tpu.vector_load %arg8[%get3A_74] {strides = array<i32>} : memref<256xf32, #tpu.memory_space<vmem>>, vector<16xf32>,
      %get3A_76 = vector.shape_cast %get3A_75 : vector<16xf32> to vector<16xf32>
      %add3A_77 = arith.addf %add3A_73, %get3A_76 : vector<16xf32>
      %get3A_78 = arith.constant 96 : index
      %get3A_79 = tpu.vector_load %arg8[%get3A_78] {strides = array<i32>} : memref<256xf32, #tpu.memory_space<vmem>>, vector<16xf32>,
      %get3A_80 = vector.shape_cast %get3A_79 : vector<16xf32> to vector<16xf32>
      %add3A_81 = arith.addf %add3A_77, %get3A_80 : vector<16xf32>
      %get3A_82 = arith.constant 112 : index
      %get3A_83 = tpu.vector_load %arg8[%get3A_82] {strides = array<i32>} : memref<256xf32, #tpu.memory_space<vmem>>, vector<16xf32>,
      %get3A_84 = vector.shape_cast %get3A_83 : vector<16xf32> to vector<16xf32>
      %add3A_85 = arith.addf %add3A_81, %get3A_84 : vector<16xf32>
      %get3A_86 = arith.constant 128 : index
      %get3A_87 = tpu.vector_load %arg8[%get3A_86] {strides = array<i32>} : memref<256xf32, #tpu.memory_space<vmem>>, vector<16xf32>,
      %get3A_88 = vector.shape_cast %get3A_87 : vector<16xf32> to vector<16xf32>
      %add3A_89 = arith.addf %add3A_85, %get3A_88 : vector<16xf32>
      %get3A_90 = arith.constant 144 : index
      %get3A_91 = tpu.vector_load %arg8[%get3A_90] {strides = array<i32>} : memref<256xf32, #tpu.memory_space<vmem>>, vector<16xf32>,
      %get3A_92 = vector.shape_cast %get3A_91 : vector<16xf32> to vector<16xf32>
      %add3A_93 = arith.addf %add3A_89, %get3A_92 : vector<16xf32>
      %get3A_94 = arith.constant 160 : index
      %get3A_95 = tpu.vector_load %arg8[%get3A_94] {strides = array<i32>} : memref<256xf32, #tpu.memory_space<vmem>>, vector<16xf32>,
      %get3A_96 = vector.shape_cast %get3A_95 : vector<16xf32> to vector<16xf32>
      %add3A_97 = arith.addf %add3A_93, %get3A_96 : vector<16xf32>
      %get3A_98 = arith.constant 176 : index
      %get3A_99 = tpu.vector_load %arg8[%get3A_98] {strides = array<i32>} : memref<256xf32, #tpu.memory_space<vmem>>, vector<16xf32>,
      %get3A_100 = vector.shape_cast %get3A_99 : vector<16xf32> to vector<16xf32>
      %add3A_101 = arith.addf %add3A_97, %get3A_100 : vector<16xf32>
      %get3A_102 = arith.constant 192 : index
      %get3A_103 = tpu.vector_load %arg8[%get3A_102] {strides = array<i32>} : memref<256xf32, #tpu.memory_space<vmem>>, vector<16xf32>,
      %get3A_104 = vector.shape_cast %get3A_103 : vector<16xf32> to vector<16xf32>
      %add3A_105 = arith.addf %add3A_101, %get3A_104 : vector<16xf32>
      %get3A_106 = arith.constant 208 : index
      %get3A_107 = tpu.vector_load %arg8[%get3A_106] {strides = array<i32>} : memref<256xf32, #tpu.memory_space<vmem>>, vector<16xf32>,
      %get3A_108 = vector.shape_cast %get3A_107 : vector<16xf32> to vector<16xf32>
      %add3A_109 = arith.addf %add3A_105, %get3A_108 : vector<16xf32>
      %get3A_110 = arith.constant 224 : index
      %get3A_111 = tpu.vector_load %arg8[%get3A_110] {strides = array<i32>} : memref<256xf32, #tpu.memory_space<vmem>>, vector<16xf32>,
      %get3A_112 = vector.shape_cast %get3A_111 : vector<16xf32> to vector<16xf32>
      %add3A_113 = arith.addf %add3A_109, %get3A_112 : vector<16xf32>
      %get3A_114 = arith.constant 240 : index
      %get3A_115 = tpu.vector_load %arg8[%get3A_114] {strides = array<i32>} : memref<256xf32, #tpu.memory_space<vmem>>, vector<16xf32>,
      %get3A_116 = vector.shape_cast %get3A_115 : vector<16xf32> to vector<16xf32>
      %add3A_117 = arith.addf %add3A_113, %get3A_116 : vector<16xf32>
      %slice3A = vector.extract_strided_slice %add3A_117 {offsets = [0], sizes = [1], strides = [1]} : vector<16xf32> to vector<1xf32>
      %squeeze3A = vector.extract %slice3A[0] : f32 from vector<1xf32>
      %add3A_118 = arith.constant 0.000000e+00 : f32
      %add3A_119 = arith.addf %add3A_118, %squeeze3A : f32
      %slice3A_120 = vector.extract_strided_slice %add3A_117 {offsets = [1], sizes = [1], strides = [1]} : vector<16xf32> to vector<1xf32>
      %squeeze3A_121 = vector.extract %slice3A_120[0] : f32 from vector<1xf32>
      %add3A_122 = arith.addf %add3A_119, %squeeze3A_121 : f32
      %slice3A_123 = vector.extract_strided_slice %add3A_117 {offsets = [2], sizes = [1], strides = [1]} : vector<16xf32> to vector<1xf32>
      %squeeze3A_124 = vector.extract %slice3A_123[0] : f32 from vector<1xf32>
      %add3A_125 = arith.addf %add3A_122, %squeeze3A_124 : f32
      %slice3A_126 = vector.extract_strided_slice %add3A_117 {offsets = [3], sizes = [1], strides = [1]} : vector<16xf32> to vector<1xf32>
      %squeeze3A_127 = vector.extract %slice3A_126[0] : f32 from vector<1xf32>
      %add3A_128 = arith.addf %add3A_125, %squeeze3A_127 : f32
      %slice3A_129 = vector.extract_strided_slice %add3A_117 {offsets = [4], sizes = [1], strides = [1]} : vector<16xf32> to vector<1xf32>
      %squeeze3A_130 = vector.extract %slice3A_129[0] : f32 from vector<1xf32>
      %add3A_131 = arith.addf %add3A_128, %squeeze3A_130 : f32
      %slice3A_132 = vector.extract_strided_slice %add3A_117 {offsets = [5], sizes = [1], strides = [1]} : vector<16xf32> to vector<1xf32>
      %squeeze3A_133 = vector.extract %slice3A_132[0] : f32 from vector<1xf32>
      %add3A_134 = arith.addf %add3A_131, %squeeze3A_133 : f32
      %slice3A_135 = vector.extract_strided_slice %add3A_117 {offsets = [6], sizes = [1], strides = [1]} : vector<16xf32> to vector<1xf32>
      %squeeze3A_136 = vector.extract %slice3A_135[0] : f32 from vector<1xf32>
      %add3A_137 = arith.addf %add3A_134, %squeeze3A_136 : f32
      %slice3A_138 = vector.extract_strided_slice %add3A_117 {offsets = [7], sizes = [1], strides = [1]} : vector<16xf32> to vector<1xf32>
      %squeeze3A_139 = vector.extract %slice3A_138[0] : f32 from vector<1xf32>
      %add3A_140 = arith.addf %add3A_137, %squeeze3A_139 : f32
      %slice3A_141 = vector.extract_strided_slice %add3A_117 {offsets = [8], sizes = [1], strides = [1]} : vector<16xf32> to vector<1xf32>
      %squeeze3A_142 = vector.extract %slice3A_141[0] : f32 from vector<1xf32>
      %add3A_143 = arith.addf %add3A_140, %squeeze3A_142 : f32
      %slice3A_144 = vector.extract_strided_slice %add3A_117 {offsets = [9], sizes = [1], strides = [1]} : vector<16xf32> to vector<1xf32>
      %squeeze3A_145 = vector.extract %slice3A_144[0] : f32 from vector<1xf32>
      %add3A_146 = arith.addf %add3A_143, %squeeze3A_145 : f32
      %slice3A_147 = vector.extract_strided_slice %add3A_117 {offsets = [10], sizes = [1], strides = [1]} : vector<16xf32> to vector<1xf32>
      %squeeze3A_148 = vector.extract %slice3A_147[0] : f32 from vector<1xf32>
      %add3A_149 = arith.addf %add3A_146, %squeeze3A_148 : f32
      %slice3A_150 = vector.extract_strided_slice %add3A_117 {offsets = [11], sizes = [1], strides = [1]} : vector<16xf32> to vector<1xf32>
      %squeeze3A_151 = vector.extract %slice3A_150[0] : f32 from vector<1xf32>
      %add3A_152 = arith.addf %add3A_149, %squeeze3A_151 : f32
      %slice3A_153 = vector.extract_strided_slice %add3A_117 {offsets = [12], sizes = [1], strides = [1]} : vector<16xf32> to vector<1xf32>
      %squeeze3A_154 = vector.extract %slice3A_153[0] : f32 from vector<1xf32>
      %add3A_155 = arith.addf %add3A_152, %squeeze3A_154 : f32
      %slice3A_156 = vector.extract_strided_slice %add3A_117 {offsets = [13], sizes = [1], strides = [1]} : vector<16xf32> to vector<1xf32>
      %squeeze3A_157 = vector.extract %slice3A_156[0] : f32 from vector<1xf32>
      %add3A_158 = arith.addf %add3A_155, %squeeze3A_157 : f32
      %slice3A_159 = vector.extract_strided_slice %add3A_117 {offsets = [14], sizes = [1], strides = [1]} : vector<16xf32> to vector<1xf32>
      %squeeze3A_160 = vector.extract %slice3A_159[0] : f32 from vector<1xf32>
      %add3A_161 = arith.addf %add3A_158, %squeeze3A_160 : f32
      %slice3A_162 = vector.extract_strided_slice %add3A_117 {offsets = [15], sizes = [1], strides = [1]} : vector<16xf32> to vector<1xf32>
      %squeeze3A_163 = vector.extract %slice3A_162[0] : f32 from vector<1xf32>
      %add3A_164 = arith.addf %add3A_161, %squeeze3A_163 : f32
      %mul3A_165 = arith.constant 2.000000e-05 : f32
      %mul3A_166 = arith.mulf %add3A_164, %mul3A_165 : f32
      %broadcast_in_dim3A_167 = vector.broadcast %mul3A_166 : f32 to vector<16xf32>
      %swap3A_168 = arith.constant 0 : index
      %swap3A_169 = tpu.vector_load %arg7[%swap3A_168] {strides = array<i32>} : memref<16xf32, #tpu.memory_space<vmem>>, vector<16xf32>,
      %swap3A_170 = vector.shape_cast %swap3A_169 : vector<16xf32> to vector<16xf32>
      %swap3A_171 = vector.shape_cast %broadcast_in_dim3A_167 : vector<16xf32> to vector<16xf32>
      tpu.vector_store %arg7[%swap3A_168], %swap3A_171 {strides = array<i32>} : memref<16xf32, #tpu.memory_space<vmem>>, vector<16xf32>,
      "tpu.region"() ({
        %run_scoped3A = tpu.sem_alloc : memref<!tpu.dma_semaphore, #tpu.memory_space<semaphore_mem>>
        %dma_start3A = arith.constant 0 : i32
        %dma_start3A_172 = tpu.memref_slice %arg7[%dma_start3A] : memref<16xf32, #tpu.memory_space<vmem>> -> memref<1xf32, #tpu.memory_space<vmem>>
        %dma_start3A_173 = arith.constant 0 : i32
        %dma_start3A_174 = tpu.memref_slice %arg7[%dma_start3A_173] : memref<16xf32, #tpu.memory_space<vmem>> -> memref<1xf32, #tpu.memory_space<vmem>>
        tpu.enqueue_dma source(%dma_start3A_174 : memref<1xf32, #tpu.memory_space<vmem>>) target(%arg4 : memref<1xf32, #tpu.memory_space<hbm>>) target_semaphore(%run_scoped3A : memref<!tpu.dma_semaphore, #tpu.memory_space<semaphore_mem>>)
        %dma_wait3A = arith.constant 0 : i32
        %dma_wait3A_175 = tpu.memref_slice %arg7[%dma_wait3A] : memref<16xf32, #tpu.memory_space<vmem>> -> memref<1xf32, #tpu.memory_space<vmem>>
        %dma_wait3A_176 = arith.constant 0 : i32
        %dma_wait3A_177 = tpu.memref_slice %arg7[%dma_wait3A_176] : memref<16xf32, #tpu.memory_space<vmem>> -> memref<1xf32, #tpu.memory_space<vmem>>
        tpu.wait_dma2 semaphore(%run_scoped3A : memref<!tpu.dma_semaphore, #tpu.memory_space<semaphore_mem>>) src(%dma_wait3A_177 : memref<1xf32, #tpu.memory_space<vmem>>) dst(%arg4 : memref<1xf32, #tpu.memory_space<hbm>>)
        tpu.yield
      }) : () -> ()
    } else {
    }
    return
  }
}

</mosaic_0001>

<sc_bundles>
// kernel: kernel.3.cloned.1.call-start
scs
__scs_entry_jumppad:
0x0: {  	(pc) =	sbr.rel $0x88, $3  }
0x1: {  	(tag) =	ssettag $0x0;
	lr =	simm.s32 $0x1  }
0x2: {  	[smem:$0x3F9F] =	sst lr;
	_ =	strace $0xD0000000  }
0x3: {  	_ = 	snop  }
0x4: {  	_ = 	snop  }
0x5: {  	_ = 	snop  }
0x6: {  	_ = 	snop  }
0x7: {  	_ = 	snop  }
__scs_overlays_trampoline_lowered:
0x8: {  	[smem:$0x3FAE] =	sst s0  }
0x9: {  	[smem:$0x3FAF] =	sst s1  }
0xa: {  	[smem:$0x3FB0] =	sst s2  }
0xb: {  	[smem:$0x3FB1] =	sst s3  }
0xc: {  	[smem:$0x3FB2] =	sst s4  }
0xd: {  	[smem:$0x3FB3] =	sst s5  }
0xe: {  	[smem:$0x3FB4] =	sst s6  }
0xf: {  	[smem:$0x3FB5] =	sst s7  }
0x10: {  	[smem:$0x3FB6] =	sst s8  }
0x11: {  	[smem:$0x3FB7] =	sst s9;
	s0 =	simm.s32 @!p0 $0x0  }
0x12: {  	s1 =	sld [smem:$0x3F9D];
	s0 =	simm.s32 @p0 $0x1  }
0x13: {  	[smem:$0x3FB8] =	sst s0;
	s0 =	simm.s32 @!p1 $0x0  }
0x14: {  	s2 =	sld [smem:$0x3F9C];
	s0 =	simm.s32 @p1 $0x1  }
0x15: {  	[smem:$0x3FB9] =	sst s0;
	s0 =	simm.s32 @!p2 $0x0  }
0x16: {  	s3 =	sld [smem:$0x3FDB];
	s0 =	simm.s32 @p2 $0x1  }
0x17: {  	s4 =	simm.s32 $0x1BF5;
	[smem:$0x3FBB] =	sst s0  }
0x18: {  	s0 =	sld [smem:$0x3F9E];
	_ =	swait.ge [sflag:s4], $0x0  }
0x19: {  	s7 =	sld [smem:$0x3F9F]  }
0x1a: {  	s8 =	sadd.s32 $0xFFFFE003, lr  }
0x1b: {  	s9 =	sadd.s32 $0xFFFFFEF7, lr;
	s5 =	simm.s32 $0xFFFFFFFF;
	p2 =	slt.u32 s8, $0xFFFFF086  }
0x1c: {  	p1 =	slt.u32 s9, $0xF7A;
	s5 =	simm.s32 @!p2 $0x0  }
0x1d: {  	s5 =	simm.s32 @p1 $0x1;
	p0 =	seq.s32 s7, s2  }
0x1e: {  	s7 =	smul.u32 @!p0 $0xF7A, s2;
	p2 =	seq.s32 @!p0 s5, $0x0  }
0x1f: {  	s9 =	smul.u32 $0xF7A, s1;
	s8 =	simm.s32 @!p0 $0x1BF5;
	p2 =	por !p2, p0  }
0x20: {  	[sflag:s8] =	ssyncset.s32 @!p0 $0xFFFFF086;
	s6 =	sadd.s32 @!p0 s3, s7;
	s7 =	simm.s32 @!p0 $0x108  }
0x21: {  	s3 =	sadd.s32 s3, s9;
	s6 =	sadd.s32 @!p0 $0x88, s6;
	s7 =	simm.s32 @p2 $0x1082  }
0x22: {  	[simem:s7], [sflag:s8] =	dma.local @!p0 [hbm:s6], $0xF7A  }
0x23: {  	s9 =	sor.u32 $0xD0000000, s2;
	s6 =	simm.s32 $0x108;
	_ =	swait.ge @!p0 [sflag:s8], $0x0  }
0x24: {  	s3 =	sadd.s32 $0x88, s3;
	s6 =	simm.s32 @!p1 $0x1082;
	[sflag:s4] =	ssyncset.s32 $0xFFFFF086  }
0x25: {  	[simem:s6], [sflag:s4] =	dma.local [hbm:s3], $0xF7A  }
0x26: {  	[smem:$0x3F9F] =	sst s1;
	(tag) =	ssettag s2;
	_ =	strace s9  }
0x27: {  	s1 =	sld [smem:$0x3FAF]  }
0x28: {  	s2 =	sld [smem:$0x3FB0]  }
0x29: {  	s4 =	sld [smem:$0x3FB2]  }
0x2a: {  	p0 =	seq.s32 s5, $0x0;
	s5 =	sld [smem:$0x3FB3]  }
0x2b: {  	s6 =	sld [smem:$0x3FB4]  }
0x2c: {  	s7 =	sld [smem:$0x3FB5]  }
0x2d: {  	s3 =	simm.s32 $0x108;
	s8 =	sld [smem:$0x3FB6]  }
0x2e: {  	s3 =	simm.s32 @!p0 $0x1082;
	s9 =	sld [smem:$0x3FB7]  }
0x2f: {  	lr =	sadd.s32 s0, s3;
	s0 =	sld [smem:$0x3FAE]  }
0x30: {  	s3 =	sld [smem:$0x3FB1]  }
0x31: {  	[smem:$0x3FBA] =	sst s10  }
0x32: {  	s10 =	sld [smem:$0x3FB8];
	_ =	sdelay $0x3  }
0x33: {  	p0 =	seq.s32 s10, $0x1;
	s10 =	sld [smem:$0x3FBA];
	_ =	sdelay $0x3  }
0x34: {  	[smem:$0x3FBA] =	sst s10  }
0x35: {  	s10 =	sld [smem:$0x3FB9];
	_ =	sdelay $0x3  }
0x36: {  	p1 =	seq.s32 s10, $0x1;
	s10 =	sld [smem:$0x3FBA];
	_ =	sdelay $0x3  }
0x37: {  	[smem:$0x3FBA] =	sst s10  }
0x38: {  	s10 =	sld [smem:$0x3FBB]  }
0x39: {  	_ = 	snop;
	(pc) =	sbr.ind lr, $3  }
0x3a: {  	_ = 	snop  }
0x3b: {  	_ = 	snop  }
0x3c: {  	p2 =	seq.s32 s10, $0x1;
	s10 =	sld [smem:$0x3FBA]  }
0x3d: {  	_ =	shalt  }
0x3e: {  	_ =	shalt  }
0x3f: {  	_ =	shalt  }
0x40: {  	_ =	shalt  }
0x41: {  	_ =	shalt  }
0x42: {  	_ =	shalt  }
0x43: {  	_ =	shalt  }
0x44: {  	_ =	shalt  }
0x45: {  	_ =	shalt  }
0x46: {  	_ =	shalt  }
0x47: {  	_ =	shalt  }
0x48: {  	_ =	shalt  }
0x49: {  	_ =	shalt  }
0x4a: {  	_ =	shalt  }
0x4b: {  	_ =	shalt  }
0x4c: {  	_ =	shalt  }
0x4d: {  	_ =	shalt  }
0x4e: {  	_ =	shalt  }
0x4f: {  	_ =	shalt  }
0x50: {  	_ =	shalt  }
0x51: {  	_ =	shalt  }
0x52: {  	_ =	shalt  }
0x53: {  	_ =	shalt  }
0x54: {  	_ =	shalt  }
0x55: {  	_ =	shalt  }
0x56: {  	_ =	shalt  }
0x57: {  	_ =	shalt  }
0x58: {  	_ =	shalt  }
0x59: {  	_ =	shalt  }
0x5a: {  	_ =	shalt  }
0x5b: {  	_ =	shalt  }
0x5c: {  	_ =	shalt  }
0x5d: {  	_ =	shalt  }
0x5e: {  	_ =	shalt  }
0x5f: {  	_ =	shalt  }
0x60: {  	_ =	shalt  }
0x61: {  	_ =	shalt  }
0x62: {  	_ =	shalt  }
0x63: {  	_ =	shalt  }
0x64: {  	_ =	shalt  }
0x65: {  	_ =	shalt  }
0x66: {  	_ =	shalt  }
0x67: {  	_ =	shalt  }
0x68: {  	_ =	shalt  }
0x69: {  	_ =	shalt  }
0x6a: {  	_ =	shalt  }
0x6b: {  	_ =	shalt  }
0x6c: {  	_ =	shalt  }
0x6d: {  	_ =	shalt  }
0x6e: {  	_ =	shalt  }
0x6f: {  	_ =	shalt  }
0x70: {  	_ =	shalt  }
0x71: {  	_ =	shalt  }
0x72: {  	_ =	shalt  }
0x73: {  	_ =	shalt  }
0x74: {  	_ =	shalt  }
0x75: {  	_ =	shalt  }
0x76: {  	_ =	shalt  }
0x77: {  	_ =	shalt  }
0x78: {  	_ =	shalt  }
0x79: {  	_ =	shalt  }
0x7a: {  	_ =	shalt  }
0x7b: {  	_ =	shalt  }
0x7c: {  	_ =	shalt  }
0x7d: {  	_ =	shalt  }
0x7e: {  	_ =	shalt  }
0x7f: {  	_ =	shalt  }
0x80: {  	_ =	shalt  }
0x81: {  	_ =	shalt  }
0x82: {  	_ =	shalt  }
0x83: {  	_ =	shalt  }
0x84: {  	_ =	shalt  }
0x85: {  	_ =	shalt  }
0x86: {  	_ =	shalt  }
0x87: {  	_ =	shalt  }
.Lfunc_end0:
.L_simem_size_0:
called_computation_lowered:
.L_overlay_start_0:
0x88: {  	s0 =	sld [smem:$0x3FD9]  }
0x89: {  	s1 =	sld [smem:$0x3FFE];
	_ =	sdelay $0x3  }
0x8a: {  	s0 =	sadd.s32 s1, s0  }
0x8b: {  	[smem:$0x3FC6] =	sst s0  }
0x8c: {  	_ = 	snop  }
0x8d: {  	s0 =	sld [smem:$0x3FD0];
	(tm) =	ssettm $0x1  }
0x8e: {  	s16 =	sld [smem:$0x3FFB];
	_ =	sdelay $0x3  }
0x8f: {  	_ =	strace s16  }
0x90: {  	s1 =	sld [smem:$0x3FFC];
	_ =	sdelay $0x3  }
0x91: {  	_ =	strace s1  }
0x92: {  	s1 =	sld [smem:$0x3FFD];
	_ =	sdelay $0x3  }
0x93: {  	_ =	strace s1  }
0x94: {  	_ =	strace $0x8FFFFFFF  }
0x95: {  	s17 =	sld [smem:$0x3FDB];
	_ =	sdelay $0x1  }
0x96: {  	s2 =	simm.s32 $_scs_section_size  }
0x97: {  	s3 =	simm.s32 $_size__tile_overlayer_lowered;
	s4 =	simm.s32 $_tile_overlayer_lowered  }
0x98: {  	s20 =	simm.s32 $0x1BFF;
	s19 =	sshll.u32 s4, $0x1;
	s1 =	sadd.s32 s2, s17  }
0x99: {  	s5 =	simm.s32 $0x0;
	s18 =	sshll.u32 s3, $0x1;
	s3 =	sadd.s32 s19, s1  }
0x9a: {  	[timem:s5], [sflag:s20] =	dma.local [hbm:s3], s18  }
0x9b: {  	_ =	swait.ge [sflag:s20], s18  }
0x9c: {  	s2 =	ssub.s32 $0x0, s18;
	[sflag:s20] =	ssyncset.done $0x0  }
0x9d: {  	[sflag:s20] =	ssyncadd.s32 s2;
	_ =	sdelay $0x1  }
0x9e: {  	s21 =	simm.s32 $0x1B8B  }
0x9f: {  	_ =	swait.ge [sflag:s21], $0x1  }
0xa0: {  	[sflag:s21] =	ssyncset.done $0x0  }
0xa1: {  	s23 =	simm.s32 $0x1B8E;
	s22 =	sld [smem:$0x3FFE];
	[sflag:s21] =	ssyncadd.s32 $0xFFFFFFFF  }
0xa2: {  	s24 =	simm.s32 $execute0_lowered;
	[smem:$0x3FD2] =	sst s23  }
0xa3: {  	s3 =	sshll.u32 s24, $0x1;
	_ =	strace $0x80000046;
	[dreg:$0x1] =	wrdreg $0xFFFFFFFF  }
0xa4: {  	s25 =	simm.s32 $_size_execute0_lowered;
	s1 =	sadd.s32 s1, s3;
	[dreg:$0x0] =	wrdreg $0x0  }
0xa5: {  	s3 =	sshll.u32 s25, $0x1;
	[dreg:$0x2] =	wrdreg s1  }
0xa6: {  	[dreg:$0x3] =	wrdreg s3  }
0xa7: {  	[dreg:$0x4] =	wrdreg $0xC0  }
0xa8: {  	_ =	task [dreg:s5], $0x5FFFF  }
0xa9: {  	[dreg:$0x1] =	wrdreg $0xFFFFFFFF  }
0xaa: {  	[dreg:$0x0] =	wrdreg $0x60  }
0xab: {  	[dreg:$0x2] =	wrdreg s22  }
0xac: {  	[dreg:$0x3] =	wrdreg s0  }
0xad: {  	[dreg:$0x4] =	wrdreg $0x32800  }
0xae: {  	[dreg:$0x5] =	wrdreg $0x9  }
0xaf: {  	_ =	task.clear_ibuf [dreg:s5], $0x6FFFF;
	_ =	strace $0x90000046  }
0xb0: {  	s26 =	simm.s32 $0x9;
	_ =	strace $0x80000048  }
0xb1: {  	_ =	swait.ge [sflag:s26], $0x1  }
0xb2: {  	[sflag:s26] =	ssyncadd.s32 $0xFFFFFFFF  }
0xb3: {  	_ =	strace $0x90000048  }
0xb4: {  	_ =	sfence  }
0xb5: {  	s28 =	sld [smem:$0x0];
	_ =	sdelay $0x1  }
0xb6: {  	s29 =	srdreg.scid  }
0xb7: {  	s30 =	sshll.u32 s29, $0xD;
	s31 =	sshrl.u32 s29, $0x2  }
0xb8: {  	s2 =	sand.u32 $0x4000, s30;
	s1 =	sand.u32 $0x1, s29;
	s0 =	sadd.s32 s31, s28  }
0xb9: {  	s1 =	sor.u32 s2, s1;
	s0 =	sshll.u32 s0, $0x11  }
0xba: {  	s0 =	sor.u32 s0, s1  }
0xbb: {  	s0 =	sadd.s32 $0x8F2B, s0  }
0xbc: {  	[sflag:s0] =	ssyncadd.remote.s32 $0x1  }
0xbd: {  	_ =	sfence.sel $0xFFFF  }
0xbe: {  	[dreg:$0x0] =	wrdreg $0xFFFFFFFF;
	(pc) =	sbr.abs _section_cstart, $3  }
0xbf: {  	[dreg:$0x1] =	wrdreg $0xFFFFFFFF  }
0xc0: {  	_ =	task.clear_ibuf [dreg:s5], $0x2FFFF;
	_ =	strace $0x9FFFFFFF  }
0xc1: {  	(tm) =	ssettm $0x7FFFFFFF  }
tec
execute0_lowered:
.L_overlay_start_1:
0x0: {  	(tag) =	ssettag $0x1  }
0x1: {  	s4 =	rddreg [dreg:$0x0]  }
0x2: {  	s1 =	rddreg [dreg:$0x1]  }
0x3: {  	s2 =	rddreg [dreg:$0x2]  }
0x4: {  	s0 =	rddreg [dreg:$0x3];
	s5 =	simm.s32 $0x0;
	s3 =	stileid.u32  }
0x5: {  	[smem:$0x7FF] =	sst s5;
	s6 =	sadd.s32 $0x600, s4;
	p0 =	seq.s32 s3, $0xF  }
0x6: {  	_ =	strace $0x80000047;
	s7 =	sadd.s32 @p0 $0x2DD2, s6;
	s8 =	simm.s32 @p0 $0x0  }
0x7: {  	[tilespmem:s8], [sflag:$0x1] =	stream.linear.gather @p0 [hbm4b:s7+s8], $0x1810, $0x38;
	[tilespmem:$0x3290] =	vst v63  }
0x8: {  	s7 =	simm.s32 @p0 $0x1  }
0x9: {  	_ =	swait.ge @p0 [sflag:s7], $0x1810  }
0xa: {  	s4 =	sadd.s32 $0x3800, s4;
	[sflag:s7] =	ssyncset.done @p0 $0x0  }
0xb: {  	s9 =	sadd.s32 @p0 $0x2DD2, s4;
	s10 =	simm.s32 @p0 $0x1880;
	[sflag:s7] =	ssyncadd.s32 @p0 $0xFFFFE7F0  }
0xc: {  	[tilespmem:s10], [sflag:$0x1] =	stream.linear.gather @p0 [hbm4b:s9+s8], $0x1810, $0x38;
	[tilespmem:$0x3290] =	vst v63  }
0xd: {  	s8 =	smul.u32 @!p0 $0x30E, s3;
	_ =	swait.ge @p0 [sflag:s7], $0x1810  }
0xe: {  	[sflag:s7] =	ssyncset.done @p0 $0x0  }
0xf: {  	s6 =	sadd.s32 @!p0 s6, s8;
	[sflag:s7] =	ssyncadd.s32 @p0 $0xFFFFE7F0;
	s7 =	simm.s32 @!p0 $0x0  }
0x10: {  	[tilespmem:s7], [sflag:$0x1] =	stream.linear.gather @!p0 [hbm4b:s6+s7], $0x1870, $0x38;
	[tilespmem:$0x3290] =	vst v63  }
0x11: {  	s6 =	simm.s32 @!p0 $0x1  }
0x12: {  	_ =	swait.ge @!p0 [sflag:s6], $0x1870  }
0x13: {  	[sflag:s6] =	ssyncset.done @!p0 $0x0  }
0x14: {  	s4 =	sadd.s32 @!p0 s4, s8;
	s8 =	simm.s32 @!p0 $0x1880;
	[sflag:s6] =	ssyncadd.s32 @!p0 $0xFFFFE790  }
0x15: {  	v0 =	vimm.f32 $1.562500000e+00;
	vm0 =	vcmask $0x300;
	[tilespmem:s8], [sflag:$0x1] =	stream.linear.gather @!p0 [hbm4b:s4+s7], $0x1870, $0x38;
	[tilespmem:$0x3290] =	vst v63  }
0x16: {  	vm9 =	vcmask $0xB08;
	v0 =	vsel vm0, $0x3F800000, v0;
	s7 =	simm.s32 @!p0 $0x187  }
0x17: {  	vm10 =	vcmask $0x1310;
	v0 =	vsel vm9, $0x3F800000, v0;
	s7 =	simm.s32 @p0 $0x181  }
0x18: {  	vm11 =	vcmask $0x1B18;
	v0 =	vsel vm10, $0x3F800000, v0;
	p1 =	sne.s32 s7, $0x1  }
.Ltmp0:
0x19: {  	vm12 =	vcmask $0x2320;
	v0 =	vsel vm11, $0x3F800000, v0;
	_ =	swait.ge @!p0 [sflag:s6], $0x1870;
	(pc) =	sbr.rel @!p1 .LBB2_1-.Ltmp0, $4  }
0x1a: {  	vm13 =	vcmask $0x2B28;
	v0 =	vsel vm12, $0x3F800000, v0;
	[sflag:s6] =	ssyncset.done @!p0 $0x0  }
0x1b: {  	s31 =	simm.s32 $0x1880;
	vm14 =	vcmask $0x3330;
	s30 =	sshll.u32 s3, $0x4;
	v0 =	vsel vm13, $0x3F800000, v0;
	[sflag:s6] =	ssyncadd.s32 @!p0 $0xFFFFE790  }
0x1c: {  	vm15 =	vcmask $0x3B38;
	v1 =	vsel vm14, $0x3F800000, v0;
	s4 =	sadd.s32 s30, s2;
	v4 =	vld [tilespmem:s31+$0x0]  }
0x1d: {  	v0 =	vimm.f32 $0.0e+00;
	v1 =	vsel vm15, $0x3F800000, v1;
	s6 =	sadd.s32 $0xFFFFFFFF, s7;
	p0 =	por $0x0, $0x0;
	v2 =	vld [tilespmem:s5+$0x0];
	s5 =	simm.s32 $0x1890  }
0x1e: {  	_ =	sdelay $0x3  }
0x1f: {  	v2 =	vsub.f32 v4, v2  }
0x20: {  	p1 =	sne.s32 s6, $0x1;
	v4 =	vld [tilespmem:s5+$0x0];
	s5 =	simm.s32 $0x10  }
.Ltmp1:
0x21: {  	v3 =	vmul.f32 v2, v2;
	v2 =	vld [tilespmem:s5+$0x0];
	(pc) =	sbr.rel @!p1 .LBB2_3-.Ltmp1, $3  }
0x22: {  	_ =	sdelay $0x1  }
0x23: {  	v5 =	vmul.f32 v1, v3  }
0x24: {  	s6 =	sadd.s32 $0xFFFFFFFF, s6;
	s7 =	simm.s32 $0x18A0;
	p0 =	por $0x1, $0x1;
	v3 =	vimm.f32 $0.0e+00  }
.LBB2_4:
0x25: {  	v6 =	vsub.f32 v4, v2;
	v4 =	vld [tilespmem:s7+$0x0];
	s5 =	sadd.s32 $0x10, s5;
	v3 =	vadd.f32 v5, v3;
	p1 =	sne.s32 s6, $0x1  }
.Ltmp2:
0x26: {  	s6 =	sadd.s32 $0xFFFFFFFF, s6;
	v2 =	vld [tilespmem:s5+$0x0];
	(pc) =	sbr.rel @p1 .LBB2_4-.Ltmp2, $3  }
0x27: {  	v5 =	vmul.f32 v6, v6;
	_ =	sdelay $0x1  }
0x28: {  	v5 =	vmul.f32 v1, v5  }
0x29: {  	s7 =	sadd.s32 $0x10, s7  }
.LBB2_5:
0x2a: {  	v2 =	vsub.f32 v4, v2;
	_ =	sdelay $0x1  }
0x2b: {  	v2 =	vmul.f32 v2, v2  }
0x2c: {  	v3 =	vadd.f32 @p0 v5, v3  }
0x2d: {  	v1 =	vmul.f32 v1, v2  }
0x2e: {  	v0 =	vpsel p0, v3, v0  }
0x2f: {  	v0 =	vadd.f32 v1, v0;
	_ =	sdelay $0x1  }
0x30: {  	s5 =	simm.s32 $0x3100;
	[tilespmem:$0x3100] =	vst v0  }
0x31: {  	[spmem:s4] =	stream.linear.scatter [tilespmem:s5], [sflag:$0x1], $0x10, $0x38;
	[tilespmem:$0x3290] =	vst v63  }
0x32: {  	s4 =	simm.s32 $0x1  }
0x33: {  	_ =	swait.ge [sflag:s4], $0x10  }
0x34: {  	[sflag:s4] =	ssyncset.done $0x0  }
0x35: {  	[sflag:s4] =	ssyncadd.s32 $0xFFFFFFF0  }
0x36: {  	p0 =	sne.s32 s3, $0x0;
	[bflag:$0x0] =	sbarrier.arrive $0xFFFF  }
0x37: {  	_ =	sfence.sel @p0 $0x180000  }
0x38: {  	[bflag:$0x0] =	sbarrier.arrive @p0 $0xFFFF  }
0x39: {  	_ =	strace @p0 $0x90000047  }
0x3a: {  	[bflag:$0x2] =	sbarrier.arrive @p0 $0xFFFF  }
0x3b: {  	_ =	shalt @p0  }
.LBB2_6:
0x3c: {  	s3 =	simm.s32 $0x3180  }
0x3d: {  	[tilespmem:s3], [sflag:$0x1] =	stream.linear.gather [spmem:s2], $0x100, $0x38;
	[tilespmem:$0x3290] =	vst v63  }
0x3e: {  	_ =	swait.ge [sflag:s4], $0x100  }
0x3f: {  	[sflag:s4] =	ssyncset.done $0x0  }
0x40: {  	[sflag:s4] =	ssyncadd.s32 $0xFFFFFF00  }
0x41: {  	v0 =	vld [tilespmem:$0x3180];
	_ =	sdelay $0x1  }
0x42: {  	v1 =	vld [tilespmem:$0x3190];
	_ =	sdelay $0x1  }
0x43: {  	v2 =	vld [tilespmem:$0x31A0]  }
0x44: {  	v0 =	vadd.f32 $0.0e+00, v0  }
0x45: {  	v3 =	vld [tilespmem:$0x31B0]  }
0x46: {  	v0 =	vadd.f32 v1, v0  }
0x47: {  	v51 =	vld [tilespmem:$0x31C0]  }
0x48: {  	v0 =	vadd.f32 v2, v0  }
0x49: {  	v52 =	vld [tilespmem:$0x31D0]  }
0x4a: {  	v0 =	vadd.f32 v3, v0  }
0x4b: {  	v53 =	vld [tilespmem:$0x31E0]  }
0x4c: {  	v0 =	vadd.f32 v51, v0  }
0x4d: {  	v54 =	vld [tilespmem:$0x31F0]  }
0x4e: {  	v0 =	vadd.f32 v52, v0  }
0x4f: {  	v55 =	vld [tilespmem:$0x3200]  }
0x50: {  	v0 =	vadd.f32 v53, v0  }
0x51: {  	v56 =	vld [tilespmem:$0x3210]  }
0x52: {  	v0 =	vadd.f32 v54, v0  }
0x53: {  	v57 =	vld [tilespmem:$0x3220]  }
0x54: {  	v0 =	vadd.f32 v55, v0  }
0x55: {  	v58 =	vld [tilespmem:$0x3230]  }
0x56: {  	v0 =	vadd.f32 v56, v0  }
0x57: {  	v59 =	vld [tilespmem:$0x3240]  }
0x58: {  	v0 =	vadd.f32 v57, v0  }
0x59: {  	v60 =	vld [tilespmem:$0x3250]  }
0x5a: {  	v0 =	vadd.f32 v58, v0  }
0x5b: {  	v61 =	vld [tilespmem:$0x3260]  }
0x5c: {  	v0 =	vadd.f32 v59, v0  }
0x5d: {  	v62 =	vld [tilespmem:$0x3270]  }
0x5e: {  	v0 =	vadd.f32 v60, v0;
	_ =	sdelay $0x1  }
0x5f: {  	v0 =	vadd.f32 v61, v0;
	_ =	sdelay $0x1  }
0x60: {  	v0 =	vadd.f32 v62, v0;
	_ =	sdelay $0x1  }
0x61: {  	(v2sf) =	vpush v0, $0x0;
	_ =	sdelay $0x1  }
0x62: {  	(v2sf) =	vpush v0, $0x1;
	_ =	sdelay $0x1  }
0x63: {  	(v2sf) =	vpush v0, $0x2;
	_ =	sdelay $0x1  }
0x64: {  	(v2sf) =	vpush v0, $0x3;
	_ =	sdelay $0x1  }
0x65: {  	(v2sf) =	vpush v0, $0x4;
	_ =	sdelay $0x1  }
0x66: {  	(v2sf) =	vpush v0, $0x5;
	_ =	sdelay $0x1  }
0x67: {  	(v2sf) =	vpush v0, $0x6;
	_ =	sdelay $0x1  }
0x68: {  	(v2sf) =	vpush v0, $0x7  }
0x69: {  	s14 =	spop (v2sf)  }
0x6a: {  	(v2sf) =	vpush v0, $0x8;
	s2 =	sadd.f32 $0.0e+00, s14  }
0x6b: {  	s15 =	spop (v2sf)  }
0x6c: {  	(v2sf) =	vpush v0, $0x9;
	s2 =	sadd.f32 s2, s15  }
0x6d: {  	s16 =	spop (v2sf)  }
0x6e: {  	(v2sf) =	vpush v0, $0xA;
	s2 =	sadd.f32 s2, s16  }
0x6f: {  	s17 =	spop (v2sf)  }
0x70: {  	(v2sf) =	vpush v0, $0xB;
	s2 =	sadd.f32 s2, s17  }
0x71: {  	s18 =	spop (v2sf)  }
0x72: {  	(v2sf) =	vpush v0, $0xC;
	s2 =	sadd.f32 s2, s18  }
0x73: {  	s19 =	spop (v2sf)  }
0x74: {  	(v2sf) =	vpush v0, $0xD;
	s2 =	sadd.f32 s2, s19  }
0x75: {  	s20 =	spop (v2sf)  }
0x76: {  	(v2sf) =	vpush v0, $0xE;
	s2 =	sadd.f32 s2, s20  }
0x77: {  	s21 =	spop (v2sf)  }
0x78: {  	(v2sf) =	vpush v0, $0xF;
	s2 =	sadd.f32 s2, s21  }
0x79: {  	s22 =	spop (v2sf)  }
0x7a: {  	s2 =	sadd.f32 s2, s22  }
0x7b: {  	s23 =	spop (v2sf)  }
0x7c: {  	s2 =	sadd.f32 s2, s23  }
0x7d: {  	s24 =	spop (v2sf)  }
0x7e: {  	s2 =	sadd.f32 s2, s24  }
0x7f: {  	s25 =	spop (v2sf)  }
0x80: {  	s2 =	sadd.f32 s2, s25  }
0x81: {  	s26 =	spop (v2sf)  }
0x82: {  	s2 =	sadd.f32 s2, s26  }
0x83: {  	s28 =	spop (v2sf)  }
0x84: {  	s2 =	sadd.f32 s2, s28  }
0x85: {  	s29 =	spop (v2sf)  }
0x86: {  	s2 =	sadd.f32 s2, s29  }
0x87: {  	s30 =	spop (v2sf)  }
0x88: {  	s2 =	sadd.f32 s2, s30;
	_ =	sdelay $0x1  }
0x89: {  	s2 =	smul.f32 $1.999999950e-05, s2;
	_ =	sdelay $0x1  }
0x8a: {  	v63 =	vmov s2  }
0x8b: {  	s31 =	simm.s32 $0x0;
	[tilespmem:$0x3100] =	vst v63  }
0x8c: {  	[hbm4b:s1+s31] =	stream.linear.scatter [tilespmem:s5], [sflag:$0x1], $0x1, $0x38;
	[tilespmem:$0x3290] =	vst v63  }
0x8d: {  	_ =	swait.ge [sflag:s4], $0x1  }
0x8e: {  	[sflag:s4] =	ssyncset.done $0x0  }
0x8f: {  	[sflag:s4] =	ssyncadd.s32 $0xFFFFFFFF  }
0x90: {  	_ =	sfence.sel $0x180000  }
0x91: {  	[bflag:$0x0] =	sbarrier.arrive $0xFFFF  }
0x92: {  	_ =	strace $0x90000047  }
0x93: {  	s0 =	sadd.s32 $0x100000, s0;
	[bflag:$0x2] =	sbarrier.arrive $0xFFFF  }
0x94: {  	[sflag:s0] =	ssyncadd.tile.s32 $0x1;
	_ =	shalt  }
.LBB2_1:
.Ltmp3:
0x95: {  	(pc) =	sbr.rel .LBB2_5-.Ltmp3, $2  }
0x96: {  	_ =	sdelay $0x2  }
0x97: {  	v3 =	vimm.f32 $0.0e+00  }
.LBB2_3:
.Ltmp4:
0x98: {  	(pc) =	sbr.rel .LBB2_5-.Ltmp4, $2  }
0x99: {  	_ =	sdelay $0x2  }
0x9a: {  	v3 =	vimm.f32 $0.0e+00  }
.Lfunc_end2:
_tile_overlayer_lowered:
.L_overlay_start_2:
0x9b: {  	(tag) =	ssettag $0x2  }
0x9c: {  	s0 =	rddreg [dreg:$0x0];
	s2 =	stileid.u32  }
0x9d: {  	s1 =	rddreg [dreg:$0x1];
	p0 =	sne.s32 s2, $0x0  }
0x9e: {  	s3 =	rddreg [dreg:$0x2];
	[bflag:$0x3] =	sbarrier.arrive $0xFFFF;
	s2 =	simm.s32 @!p0 $0x1C01  }
0x9f: {  	[timem:s3], [sflag:s2] =	dma.local @!p0 [hbm:s0], s1  }
0xa0: {  	s0 =	simm.s32 @!p0 $0x1  }
0xa1: {  	_ =	swait.ge @!p0 [sflag:s0], s1  }
0xa2: {  	s1 =	ssub.s32 @!p0 $0x0, s1;
	[sflag:s0] =	ssyncset.done @!p0 $0x0  }
0xa3: {  	[sflag:s0] =	ssyncadd.s32 @!p0 s1  }
0xa4: {  	[bflag:$0x3] =	sbarrier.arrive $0xFFFF  }
0xa5: {  	_ =	shalt  }

</sc_bundles>
